<compile_context>
chip_gen: v7x
topology: tpu7x:2x2x1
jax: 0.10.2.dev20260603
libtpu: 0.0.44.dev20260713+nightly
codegen_flags: <defaults>
</compile_context>

<pallas_src>
import functools

import jax
import jax.numpy as jnp
from jax import lax
from jax.experimental import pallas as pl
from jax.experimental.pallas import tpu as pltpu
from jax.experimental.pallas import tpu_sc as plsc

SEQ, BATCH = 32, 16
NTOKEN, NINP, NHID, NHIDLAST = 10000, 128, 256, 128
ODE_STEPS = 4
ROWS = SEQ * BATCH
TILE = 128
SPT = TILE // BATCH

_NT = (((1,), (1,)), ((), ()))


def _sc_gather(emb, tok):
    info = plsc.get_sparse_core_info()
    nc, ns = info.num_cores, info.num_subcores
    nw = nc * ns
    b_per_w = ROWS // nw
    mesh = plsc.VectorSubcoreMesh(core_axis_name="c", subcore_axis_name="s")

    @functools.partial(
        pl.kernel,
        mesh=mesh,
        out_type=jax.ShapeDtypeStruct((ROWS, NINP), jnp.float32),
        scratch_types=[
            pltpu.VMEM((b_per_w,), jnp.int32),
            pltpu.VMEM((b_per_w, NINP), jnp.float32),
            pltpu.SemaphoreType.DMA,
        ],
    )
    def gather_kernel(table_hbm, tok_hbm, out_hbm, idx_v, rows_v, sem):
        wid = lax.axis_index("s") * nc + lax.axis_index("c")
        pltpu.sync_copy(tok_hbm.at[wid], idx_v)
        pltpu.async_copy(table_hbm.at[idx_v], rows_v, sem).wait()
        pltpu.sync_copy(rows_v, out_hbm.at[pl.ds(wid * b_per_w, b_per_w)])

    return gather_kernel(emb, tok)


def _softplus(u):
    return jnp.maximum(u, 0.0) + jnp.log1p(jnp.exp(-jnp.abs(u)))


def _fused_body(x_ref, wih0_ref, whh0_ref, bih0_ref, bhh0_ref,
                wih1_ref, whh1_ref, bih1_ref, bhh1_ref,
                h0_ref, c0_ref, h1_ref, c1_ref,
                wdec_ref, wo2_ref, wo1_ref, bdec_ref, bo1_ref, bo2_ref,
                out_ref, h0n_ref, c0n_ref, h1n_ref, c1n_ref,
                y1_s, s_s, xw_s, wcat_v, wo1_v,
                sem0, sem1, sem2):
    pid = pl.program_id(0)
    out_ref[...] = jnp.zeros_like(out_ref) + x_ref[0, 0]
    h0n_ref[...] = h0_ref[...]
    c0n_ref[...] = c0_ref[...]
    h1n_ref[...] = h1_ref[...]
    c1n_ref[...] = c1_ref[...]


def kernel(tokens, h0, c0, h1, c1, emb, W_ih0, W_hh0, b_ih0, b_hh0,
           W_ih1, W_hh1, b_ih1, b_hh1, W_dec, b_dec, W_o1, b_o1, W_o2, b_o2):
    x = _sc_gather(emb, tokens.astype(jnp.int32))

    n_tiles = ROWS // TILE
    const2 = lambda i: (0, 0)
    const1 = lambda i: (0,)
    const3 = lambda i: (0, 0, 0)
    out, h0n, c0n, h1n, c1n = pl.pallas_call(
        _fused_body,
        grid=(n_tiles,),
        in_specs=[
            pl.BlockSpec((ROWS, NINP), const2),
            pl.BlockSpec((4 * NHID, NINP), const2),
            pl.BlockSpec((4 * NHID, NHID), const2),
            pl.BlockSpec((4 * NHID,), const1),
            pl.BlockSpec((4 * NHID,), const1),
            pl.BlockSpec((4 * NHIDLAST, NHID), const2),
            pl.BlockSpec((4 * NHIDLAST, NHIDLAST), const2),
            pl.BlockSpec((4 * NHIDLAST,), const1),
            pl.BlockSpec((4 * NHIDLAST,), const1),
            pl.BlockSpec((1, BATCH, NHID), const3),
            pl.BlockSpec((1, BATCH, NHID), const3),
            pl.BlockSpec((1, BATCH, NHIDLAST), const3),
            pl.BlockSpec((1, BATCH, NHIDLAST), const3),
            pl.BlockSpec(memory_space=pl.ANY),
            pl.BlockSpec(memory_space=pl.ANY),
            pl.BlockSpec(memory_space=pl.ANY),
            pl.BlockSpec((NTOKEN,), const1),
            pl.BlockSpec((NINP,), const1),
            pl.BlockSpec((NTOKEN,), const1),
        ],
        out_specs=[
            pl.BlockSpec((SPT, BATCH, NTOKEN), lambda i: (i, 0, 0)),
            pl.BlockSpec((1, BATCH, NHID), const3),
            pl.BlockSpec((1, BATCH, NHID), const3),
            pl.BlockSpec((1, BATCH, NHIDLAST), const3),
            pl.BlockSpec((1, BATCH, NHIDLAST), const3),
        ],
        out_shape=[
            jax.ShapeDtypeStruct((SEQ, BATCH, NTOKEN), jnp.float32),
            jax.ShapeDtypeStruct((1, BATCH, NHID), jnp.float32),
            jax.ShapeDtypeStruct((1, BATCH, NHID), jnp.float32),
            jax.ShapeDtypeStruct((1, BATCH, NHIDLAST), jnp.float32),
            jax.ShapeDtypeStruct((1, BATCH, NHIDLAST), jnp.float32),
        ],
        scratch_shapes=[
            pltpu.VMEM((ROWS, NHIDLAST), jnp.float32),
            pltpu.VMEM((ROWS, NINP), jnp.float32),
            pltpu.VMEM((ROWS, 4 * NHID), jnp.float32),
            pltpu.VMEM((NTOKEN, 2 * NINP), jnp.float32),
            pltpu.VMEM((NINP, NTOKEN + 1), jnp.float32),
            pltpu.SemaphoreType.DMA,
            pltpu.SemaphoreType.DMA,
            pltpu.SemaphoreType.DMA,
        ],
    )(x, W_ih0, W_hh0, b_ih0, b_hh0, W_ih1, W_hh1, b_ih1, b_hh1,
      h0, c0, h1, c1, W_dec, W_o2, W_o1, b_dec, b_o1, b_o2)

    return (out, h0n, c0n, h1n, c1n)

# --- scband reference (transcript-rebuilt; emitter-appended) ---
"""Pipeline reference for scband-rnnmodel-30133490549365 (READ-ONLY COPY).

The authoritative reference and input builder live on the scoring server;
editing this copy changes nothing except your own understanding.
"""

import jax, jax.numpy as jnp
import numpy as np

SEQ, BATCH = 32, 16
NTOKEN, NINP, NHID, NHIDLAST = 10000, 128, 256, 128
ODE_STEPS = 4


def setup_inputs(seed: int = 0):
    key = jax.random.key(seed)
    ks = jax.random.split(key, 20)

    def rn(k, shape, s):
        return jax.random.normal(k, shape, dtype=jnp.float32) * s

    inp = {}
    inp["tokens"] = jax.random.randint(ks[0], (SEQ, BATCH), 0, NTOKEN)
    inp["h0"] = jnp.zeros((1, BATCH, NHID), jnp.float32)
    inp["c0"] = jnp.zeros((1, BATCH, NHID), jnp.float32)
    inp["h1"] = jnp.zeros((1, BATCH, NHIDLAST), jnp.float32)
    inp["c1"] = jnp.zeros((1, BATCH, NHIDLAST), jnp.float32)
    inp["emb"] = rn(ks[1], (NTOKEN, NINP), 0.1)
    inp["W_ih0"] = rn(ks[2], (4 * NHID, NINP), 0.06)
    inp["W_hh0"] = rn(ks[3], (4 * NHID, NHID), 0.06)
    inp["b_ih0"] = jnp.zeros((4 * NHID,), jnp.float32)
    inp["b_hh0"] = jnp.zeros((4 * NHID,), jnp.float32)
    inp["W_ih1"] = rn(ks[4], (4 * NHIDLAST, NHID), 0.06)
    inp["W_hh1"] = rn(ks[5], (4 * NHIDLAST, NHIDLAST), 0.06)
    inp["b_ih1"] = jnp.zeros((4 * NHIDLAST,), jnp.float32)
    inp["b_hh1"] = jnp.zeros((4 * NHIDLAST,), jnp.float32)
    inp["W_dec"] = rn(ks[6], (NTOKEN, NINP), 0.1)
    inp["b_dec"] = jnp.zeros((NTOKEN,), jnp.float32)
    inp["W_o1"] = rn(ks[7], (NINP, NTOKEN + 1), 0.01)
    inp["b_o1"] = jnp.zeros((NINP,), jnp.float32)
    inp["W_o2"] = rn(ks[8], (NTOKEN, NINP), 0.01)
    inp["b_o2"] = jnp.zeros((NTOKEN,), jnp.float32)
    return inp


def _lstm_layer(x_seq, h0, c0, W_ih, W_hh, b_ih, b_hh):
    # torch LSTM gate order: i, f, g, o
    def step(carry, x_t):
        h, c = carry
        g = x_t @ W_ih.T + b_ih + h @ W_hh.T + b_hh
        i, f, gg, o = jnp.split(g, 4, axis=-1)
        i = jax.nn.sigmoid(i)
        f = jax.nn.sigmoid(f)
        gg = jnp.tanh(gg)
        o = jax.nn.sigmoid(o)
        c2 = f * c + i * gg
        h2 = o * jnp.tanh(c2)
        return (h2, c2), h2

    (hT, cT), ys = jax.lax.scan(step, (h0[0], c0[0]), x_seq)
    return ys, hT[None, :, :], cT[None, :, :]


def _odefunc(t, x, W1, b1, W2, b2):
    # ConcatLinear: prepend time channel, then Linear -> Softplus -> Linear
    tt = jnp.ones_like(x[:, :1]) * t
    ttx = jnp.concatenate([tt, x], axis=1)
    h = jax.nn.softplus(ttx @ W1.T + b1)
    return h @ W2.T + b2


def _rk4(f, x0, t0, t1, n):
    # fixed-step RK4 integrator replacing torchdiffeq.odeint (0 -> 1)
    dt = (t1 - t0) / n
    def step(x, i):
        t = t0 + i * dt
        k1 = f(t, x)
        k2 = f(t + dt / 2.0, x + (dt / 2.0) * k1)
        k3 = f(t + dt / 2.0, x + (dt / 2.0) * k2)
        k4 = f(t + dt, x + dt * k3)
        return x + (dt / 6.0) * (k1 + 2.0 * k2 + 2.0 * k3 + k4), None
    x, _ = jax.lax.scan(step, x0, jnp.arange(n, dtype=x0.dtype))
    return x


def reference(tokens, h0, c0, h1, c1, emb, W_ih0, W_hh0, b_ih0, b_hh0,
              W_ih1, W_hh1, b_ih1, b_hh1, W_dec, b_dec, W_o1, b_o1, W_o2, b_o2):
    # eval mode: all dropouts are identity
    x = jnp.take(emb, tokens, axis=0)              # (SEQ, BATCH, NINP)
    y0, h0n, c0n = _lstm_layer(x, h0, c0, W_ih0, W_hh0, b_ih0, b_hh0)
    y1, h1n, c1n = _lstm_layer(y0, h1, c1, W_ih1, W_hh1, b_ih1, b_hh1)
    # nhidlast == ninp, so no latent projection
    logit = y1 @ W_dec.T + b_dec                   # (SEQ, BATCH, NTOKEN)
    flat = logit.reshape(-1, NTOKEN)
    f = lambda t, z: _odefunc(t, z, W_o1, b_o1, W_o2, b_o2)
    transformed = _rk4(f, flat, 0.0, 1.0, ODE_STEPS)
    prob = jax.nn.softmax(transformed, axis=-1)
    log_prob = jnp.log(prob + 1e-8)
    model_output = log_prob.reshape(-1, BATCH, NTOKEN)
    return (model_output, h0n, c0n, h1n, c1n)

if __name__ == "__main__":
    import jax
    _d = setup_inputs()
    print(jax.jit(kernel)(*tuple(_d.values())))

</pallas_src>

<mosaic_0001>
#map = affine_map<(d0, d1) -> (0, 0)>
module attributes {stable_mosaic.version = 14 : i64} {
  func.func @gather_kernel(%arg0: i32, %arg1: i32, %arg2: memref<10000x128xf32, #tpu.memory_space<hbm>>, %arg3: memref<32x16xi32, #tpu.memory_space<hbm>>, %arg4: memref<512x128xf32, #tpu.memory_space<hbm>>, %arg5: memref<16xi32, #tpu.memory_space<vmem>>, %arg6: memref<16x128xf32, #tpu.memory_space<vmem>>, %arg7: memref<!tpu.dma_semaphore, #tpu.memory_space<semaphore_mem>>) attributes {dimension_semantics = [#tpu.dimension_semantics<core_parallel>, #tpu.dimension_semantics<subcore_parallel>], iteration_bounds = array<i64: 2, 16>, scalar_prefetch = 0 : i64, scratch_operands = 3 : i64, tpu.core_type = #tpu.core_type<sc_vector_subcore>, window_params = [{transform_indices = #map}, {transform_indices = #map}, {transform_indices = #map}]} {
    %mul3A = arith.constant 2 : i32
    %mul3A_0 = arith.muli %arg1, %mul3A : i32
    %add3A = arith.addi %mul3A_0, %arg0 : i32
    "tpu.region"() ({
      %run_scoped3A = tpu.sem_alloc : memref<!tpu.dma_semaphore, #tpu.memory_space<semaphore_mem>>
      %dma_start3A_7 = arith.constant 0 : i32
      %dma_start3A_8 = tpu.memref_slice %arg3[%add3A, %dma_start3A_7] : memref<32x16xi32, #tpu.memory_space<hbm>> -> memref<1x16xi32, #tpu.memory_space<hbm>>
      %dma_start3A_9 = tpu.memref_squeeze %dma_start3A_8 : memref<1x16xi32, #tpu.memory_space<hbm>> -> memref<16xi32, #tpu.memory_space<hbm>>
      %dma_start3A_10 = arith.constant 0 : i32
      %dma_start3A_11 = tpu.memref_slice %arg3[%add3A, %dma_start3A_10] : memref<32x16xi32, #tpu.memory_space<hbm>> -> memref<1x16xi32, #tpu.memory_space<hbm>>
      %dma_start3A_12 = tpu.memref_squeeze %dma_start3A_11 : memref<1x16xi32, #tpu.memory_space<hbm>> -> memref<16xi32, #tpu.memory_space<hbm>>
      tpu.enqueue_dma source(%dma_start3A_12 : memref<16xi32, #tpu.memory_space<hbm>>) target(%arg5 : memref<16xi32, #tpu.memory_space<vmem>>) target_semaphore(%run_scoped3A : memref<!tpu.dma_semaphore, #tpu.memory_space<semaphore_mem>>)
      %dma_wait3A_13 = arith.constant 0 : i32
      %dma_wait3A_14 = tpu.memref_slice %arg3[%add3A, %dma_wait3A_13] : memref<32x16xi32, #tpu.memory_space<hbm>> -> memref<1x16xi32, #tpu.memory_space<hbm>>
      %dma_wait3A_15 = tpu.memref_squeeze %dma_wait3A_14 : memref<1x16xi32, #tpu.memory_space<hbm>> -> memref<16xi32, #tpu.memory_space<hbm>>
      %dma_wait3A_16 = arith.constant 0 : i32
      %dma_wait3A_17 = tpu.memref_slice %arg3[%add3A, %dma_wait3A_16] : memref<32x16xi32, #tpu.memory_space<hbm>> -> memref<1x16xi32, #tpu.memory_space<hbm>>
      %dma_wait3A_18 = tpu.memref_squeeze %dma_wait3A_17 : memref<1x16xi32, #tpu.memory_space<hbm>> -> memref<16xi32, #tpu.memory_space<hbm>>
      tpu.wait_dma2 semaphore(%run_scoped3A : memref<!tpu.dma_semaphore, #tpu.memory_space<semaphore_mem>>) src(%dma_wait3A_18 : memref<16xi32, #tpu.memory_space<hbm>>) dst(%arg5 : memref<16xi32, #tpu.memory_space<vmem>>)
      tpu.yield
    }) : () -> ()
    %dma_start3A = arith.constant 0 : i32
    %dma_start3A_1 = arith.constant 0 : i32
    %dma_start3A_2 = tpu.memref_slice %arg2[%dma_start3A, %dma_start3A_1] : memref<10000x128xf32, #tpu.memory_space<hbm>> -> memref<10000x128xf32, #tpu.memory_space<hbm>>
    tpu.enqueue_indirect_dma source(%dma_start3A_2 : memref<10000x128xf32, #tpu.memory_space<hbm>>) target(%arg6 : memref<16x128xf32, #tpu.memory_space<vmem>>) offsets(%arg5 : memref<16xi32, #tpu.memory_space<vmem>>) semaphore(%arg7 : memref<!tpu.dma_semaphore, #tpu.memory_space<semaphore_mem>>)
    %dma_wait3A = arith.constant 0 : i32
    %dma_wait3A_3 = arith.constant 0 : i32
    %dma_wait3A_4 = tpu.memref_slice %arg2[%dma_wait3A, %dma_wait3A_3] : memref<10000x128xf32, #tpu.memory_space<hbm>> -> memref<10000x128xf32, #tpu.memory_space<hbm>>
    tpu.wait_indirect_dma semaphore(%arg7 : memref<!tpu.dma_semaphore, #tpu.memory_space<semaphore_mem>>) src(%dma_wait3A_4 : memref<10000x128xf32, #tpu.memory_space<hbm>>) dst(%arg6 : memref<16x128xf32, #tpu.memory_space<vmem>>)
    %mul3A_5 = arith.constant 16 : i32
    %mul3A_6 = arith.muli %add3A, %mul3A_5 : i32
    "tpu.region"() ({
      %run_scoped3A = tpu.sem_alloc : memref<!tpu.dma_semaphore, #tpu.memory_space<semaphore_mem>>
      %dma_start3A_7 = arith.constant 0 : i32
      %dma_start3A_8 = tpu.memref_slice %arg4[%mul3A_6, %dma_start3A_7] : memref<512x128xf32, #tpu.memory_space<hbm>> -> memref<16x128xf32, #tpu.memory_space<hbm>>
      %dma_start3A_9 = arith.constant 0 : i32
      %dma_start3A_10 = tpu.memref_slice %arg4[%mul3A_6, %dma_start3A_9] : memref<512x128xf32, #tpu.memory_space<hbm>> -> memref<16x128xf32, #tpu.memory_space<hbm>>
      tpu.enqueue_dma source(%arg6 : memref<16x128xf32, #tpu.memory_space<vmem>>) target(%dma_start3A_10 : memref<16x128xf32, #tpu.memory_space<hbm>>) target_semaphore(%run_scoped3A : memref<!tpu.dma_semaphore, #tpu.memory_space<semaphore_mem>>)
      %dma_wait3A_11 = arith.constant 0 : i32
      %dma_wait3A_12 = tpu.memref_slice %arg4[%mul3A_6, %dma_wait3A_11] : memref<512x128xf32, #tpu.memory_space<hbm>> -> memref<16x128xf32, #tpu.memory_space<hbm>>
      %dma_wait3A_13 = arith.constant 0 : i32
      %dma_wait3A_14 = tpu.memref_slice %arg4[%mul3A_6, %dma_wait3A_13] : memref<512x128xf32, #tpu.memory_space<hbm>> -> memref<16x128xf32, #tpu.memory_space<hbm>>
      tpu.wait_dma2 semaphore(%run_scoped3A : memref<!tpu.dma_semaphore, #tpu.memory_space<semaphore_mem>>) src(%arg6 : memref<16x128xf32, #tpu.memory_space<vmem>>) dst(%dma_wait3A_14 : memref<16x128xf32, #tpu.memory_space<hbm>>)
      tpu.yield
    }) : () -> ()
    return
  }
}

module attributes {stable_mosaic.version = 14 : i64} {
  func.func @_fused_body(%arg0: i32, %arg1: memref<512x128xf32, #tpu.memory_space<vmem>>, %arg2: memref<1024x128xf32, #tpu.memory_space<vmem>>, %arg3: memref<1024x256xf32, #tpu.memory_space<vmem>>, %arg4: memref<1024xf32, #tpu.memory_space<vmem>>, %arg5: memref<1024xf32, #tpu.memory_space<vmem>>, %arg6: memref<512x256xf32, #tpu.memory_space<vmem>>, %arg7: memref<512x128xf32, #tpu.memory_space<vmem>>, %arg8: memref<512xf32, #tpu.memory_space<vmem>>, %arg9: memref<512xf32, #tpu.memory_space<vmem>>, %arg10: memref<1x16x256xf32, #tpu.memory_space<vmem>>, %arg11: memref<1x16x256xf32, #tpu.memory_space<vmem>>, %arg12: memref<1x16x128xf32, #tpu.memory_space<vmem>>, %arg13: memref<1x16x128xf32, #tpu.memory_space<vmem>>, %arg14: memref<10000x128xf32, #tpu.memory_space<any>>, %arg15: memref<10000x128xf32, #tpu.memory_space<any>>, %arg16: memref<128x10001xf32, #tpu.memory_space<any>>, %arg17: memref<10000xf32, #tpu.memory_space<vmem>>, %arg18: memref<128xf32, #tpu.memory_space<vmem>>, %arg19: memref<10000xf32, #tpu.memory_space<vmem>>, %arg20: memref<8x16x10000xf32, #tpu.memory_space<vmem>>, %arg21: memref<1x16x256xf32, #tpu.memory_space<vmem>>, %arg22: memref<1x16x256xf32, #tpu.memory_space<vmem>>, %arg23: memref<1x16x128xf32, #tpu.memory_space<vmem>>, %arg24: memref<1x16x128xf32, #tpu.memory_space<vmem>>, %arg25: memref<512x128xf32, #tpu.memory_space<vmem>>, %arg26: memref<512x128xf32, #tpu.memory_space<vmem>>, %arg27: memref<512x1024xf32, #tpu.memory_space<vmem>>, %arg28: memref<10000x256xf32, #tpu.memory_space<vmem>>, %arg29: memref<128x10001xf32, #tpu.memory_space<vmem>>, %arg30: memref<!tpu.dma_semaphore, #tpu.memory_space<semaphore_mem>>, %arg31: memref<!tpu.dma_semaphore, #tpu.memory_space<semaphore_mem>>, %arg32: memref<!tpu.dma_semaphore, #tpu.memory_space<semaphore_mem>>) attributes {dimension_semantics = [#tpu.dimension_semantics<arbitrary>], iteration_bounds = array<i64: 4>, scalar_prefetch = 0 : i64, scratch_operands = 8 : i64, tpu.core_type = #tpu.core_type<tc>, window_params = [{pipeline_mode = #tpu.pipeline_mode<synchronous>, transform_indices = @transform_0, window_bounds = array<i64: 512, 128>}, {pipeline_mode = #tpu.pipeline_mode<synchronous>, transform_indices = @transform_1, window_bounds = array<i64: 1024, 128>}, {pipeline_mode = #tpu.pipeline_mode<synchronous>, transform_indices = @transform_2, window_bounds = array<i64: 1024, 256>}, {pipeline_mode = #tpu.pipeline_mode<synchronous>, transform_indices = @transform_3, window_bounds = array<i64: 1024>}, {pipeline_mode = #tpu.pipeline_mode<synchronous>, transform_indices = @transform_4, window_bounds = array<i64: 1024>}, {pipeline_mode = #tpu.pipeline_mode<synchronous>, transform_indices = @transform_5, window_bounds = array<i64: 512, 256>}, {pipeline_mode = #tpu.pipeline_mode<synchronous>, transform_indices = @transform_6, window_bounds = array<i64: 512, 128>}, {pipeline_mode = #tpu.pipeline_mode<synchronous>, transform_indices = @transform_7, window_bounds = array<i64: 512>}, {pipeline_mode = #tpu.pipeline_mode<synchronous>, transform_indices = @transform_8, window_bounds = array<i64: 512>}, {pipeline_mode = #tpu.pipeline_mode<synchronous>, transform_indices = @transform_9, window_bounds = array<i64: 1, 16, 256>}, {pipeline_mode = #tpu.pipeline_mode<synchronous>, transform_indices = @transform_10, window_bounds = array<i64: 1, 16, 256>}, {pipeline_mode = #tpu.pipeline_mode<synchronous>, transform_indices = @transform_11, window_bounds = array<i64: 1, 16, 128>}, {pipeline_mode = #tpu.pipeline_mode<synchronous>, transform_indices = @transform_12, window_bounds = array<i64: 1, 16, 128>}, {}, {}, {}, {pipeline_mode = #tpu.pipeline_mode<synchronous>, transform_indices = @transform_16, window_bounds = array<i64: 10000>}, {pipeline_mode = #tpu.pipeline_mode<synchronous>, transform_indices = @transform_17, window_bounds = array<i64: 128>}, {pipeline_mode = #tpu.pipeline_mode<synchronous>, transform_indices = @transform_18, window_bounds = array<i64: 10000>}, {transform_indices = @transform_19, window_bounds = array<i64: 8, 16, 10000>}, {pipeline_mode = #tpu.pipeline_mode<synchronous>, transform_indices = @transform_20, window_bounds = array<i64: 1, 16, 256>}, {pipeline_mode = #tpu.pipeline_mode<synchronous>, transform_indices = @transform_21, window_bounds = array<i64: 1, 16, 256>}, {pipeline_mode = #tpu.pipeline_mode<synchronous>, transform_indices = @transform_22, window_bounds = array<i64: 1, 16, 128>}, {pipeline_mode = #tpu.pipeline_mode<synchronous>, transform_indices = @transform_23, window_bounds = array<i64: 1, 16, 128>}]} {
    %broadcast_in_dim3A = arith.constant 0.000000e+00 : f32
    %broadcast_in_dim3A_0 = vector.broadcast %broadcast_in_dim3A : f32 to vector<8x16x10000xf32>
    %get3A = arith.constant 0 : index
    %get3A_1 = arith.constant 0 : index
    %get3A_2 = vector.load %arg1[%get3A, %get3A_1] : memref<512x128xf32, #tpu.memory_space<vmem>>, vector<1x1xf32>
    %get3A_3 = vector.extract %get3A_2[0, 0] : f32 from vector<1x1xf32>
    %add3A = vector.broadcast %get3A_3 : f32 to vector<8x16x10000xf32>
    %add3A_4 = arith.addf %broadcast_in_dim3A_0, %add3A : vector<8x16x10000xf32>
    %swap3A = arith.constant 0 : index
    %swap3A_5 = arith.constant 0 : index
    %swap3A_6 = arith.constant 0 : index
    %swap3A_7 = vector.load %arg20[%swap3A, %swap3A_5, %swap3A_6] : memref<8x16x10000xf32, #tpu.memory_space<vmem>>, vector<8x16x10000xf32>
    tpu.vector_store %arg20[%swap3A, %swap3A_5, %swap3A_6], %add3A_4 {strides = array<i32>} : memref<8x16x10000xf32, #tpu.memory_space<vmem>>, vector<8x16x10000xf32>,
    %get3A_8 = arith.constant 0 : index
    %get3A_9 = arith.constant 0 : index
    %get3A_10 = arith.constant 0 : index
    %get3A_11 = vector.load %arg10[%get3A_8, %get3A_9, %get3A_10] : memref<1x16x256xf32, #tpu.memory_space<vmem>>, vector<1x16x256xf32>
    %swap3A_12 = arith.constant 0 : index
    %swap3A_13 = arith.constant 0 : index
    %swap3A_14 = arith.constant 0 : index
    %swap3A_15 = vector.load %arg21[%swap3A_12, %swap3A_13, %swap3A_14] : memref<1x16x256xf32, #tpu.memory_space<vmem>>, vector<1x16x256xf32>
    tpu.vector_store %arg21[%swap3A_12, %swap3A_13, %swap3A_14], %get3A_11 {strides = array<i32>} : memref<1x16x256xf32, #tpu.memory_space<vmem>>, vector<1x16x256xf32>,
    %get3A_16 = arith.constant 0 : index
    %get3A_17 = arith.constant 0 : index
    %get3A_18 = arith.constant 0 : index
    %get3A_19 = vector.load %arg11[%get3A_16, %get3A_17, %get3A_18] : memref<1x16x256xf32, #tpu.memory_space<vmem>>, vector<1x16x256xf32>
    %swap3A_20 = arith.constant 0 : index
    %swap3A_21 = arith.constant 0 : index
    %swap3A_22 = arith.constant 0 : index
    %swap3A_23 = vector.load %arg22[%swap3A_20, %swap3A_21, %swap3A_22] : memref<1x16x256xf32, #tpu.memory_space<vmem>>, vector<1x16x256xf32>
    tpu.vector_store %arg22[%swap3A_20, %swap3A_21, %swap3A_22], %get3A_19 {strides = array<i32>} : memref<1x16x256xf32, #tpu.memory_space<vmem>>, vector<1x16x256xf32>,
    %get3A_24 = arith.constant 0 : index
    %get3A_25 = arith.constant 0 : index
    %get3A_26 = arith.constant 0 : index
    %get3A_27 = vector.load %arg12[%get3A_24, %get3A_25, %get3A_26] : memref<1x16x128xf32, #tpu.memory_space<vmem>>, vector<1x16x128xf32>
    %swap3A_28 = arith.constant 0 : index
    %swap3A_29 = arith.constant 0 : index
    %swap3A_30 = arith.constant 0 : index
    %swap3A_31 = vector.load %arg23[%swap3A_28, %swap3A_29, %swap3A_30] : memref<1x16x128xf32, #tpu.memory_space<vmem>>, vector<1x16x128xf32>
    tpu.vector_store %arg23[%swap3A_28, %swap3A_29, %swap3A_30], %get3A_27 {strides = array<i32>} : memref<1x16x128xf32, #tpu.memory_space<vmem>>, vector<1x16x128xf32>,
    %get3A_32 = arith.constant 0 : index
    %get3A_33 = arith.constant 0 : index
    %get3A_34 = arith.constant 0 : index
    %get3A_35 = vector.load %arg13[%get3A_32, %get3A_33, %get3A_34] : memref<1x16x128xf32, #tpu.memory_space<vmem>>, vector<1x16x128xf32>
    %swap3A_36 = arith.constant 0 : index
    %swap3A_37 = arith.constant 0 : index
    %swap3A_38 = arith.constant 0 : index
    %swap3A_39 = vector.load %arg24[%swap3A_36, %swap3A_37, %swap3A_38] : memref<1x16x128xf32, #tpu.memory_space<vmem>>, vector<1x16x128xf32>
    tpu.vector_store %arg24[%swap3A_36, %swap3A_37, %swap3A_38], %get3A_35 {strides = array<i32>} : memref<1x16x128xf32, #tpu.memory_space<vmem>>, vector<1x16x128xf32>,
    return
  }
  func.func @transform_0(%arg0: i32) -> (i32, i32) {
    %c0_i32 = arith.constant 0 : i32
    %c0_i32_0 = arith.constant 0 : i32
    %c0_i32_1 = arith.constant 0 : i32
    return %c0_i32, %c0_i32_0 : i32, i32
  }
  func.func @transform_1(%arg0: i32) -> (i32, i32) {
    %c0_i32 = arith.constant 0 : i32
    %c0_i32_0 = arith.constant 0 : i32
    %c0_i32_1 = arith.constant 0 : i32
    return %c0_i32, %c0_i32_0 : i32, i32
  }
  func.func @transform_2(%arg0: i32) -> (i32, i32) {
    %c0_i32 = arith.constant 0 : i32
    %c0_i32_0 = arith.constant 0 : i32
    %c0_i32_1 = arith.constant 0 : i32
    return %c0_i32, %c0_i32_0 : i32, i32
  }
  func.func @transform_3(%arg0: i32) -> i32 {
    %c0_i32 = arith.constant 0 : i32
    %c0_i32_0 = arith.constant 0 : i32
    return %c0_i32 : i32
  }
  func.func @transform_4(%arg0: i32) -> i32 {
    %c0_i32 = arith.constant 0 : i32
    %c0_i32_0 = arith.constant 0 : i32
    return %c0_i32 : i32
  }
  func.func @transform_5(%arg0: i32) -> (i32, i32) {
    %c0_i32 = arith.constant 0 : i32
    %c0_i32_0 = arith.constant 0 : i32
    %c0_i32_1 = arith.constant 0 : i32
    return %c0_i32, %c0_i32_0 : i32, i32
  }
  func.func @transform_6(%arg0: i32) -> (i32, i32) {
    %c0_i32 = arith.constant 0 : i32
    %c0_i32_0 = arith.constant 0 : i32
    %c0_i32_1 = arith.constant 0 : i32
    return %c0_i32, %c0_i32_0 : i32, i32
  }
  func.func @transform_7(%arg0: i32) -> i32 {
    %c0_i32 = arith.constant 0 : i32
    %c0_i32_0 = arith.constant 0 : i32
    return %c0_i32 : i32
  }
  func.func @transform_8(%arg0: i32) -> i32 {
    %c0_i32 = arith.constant 0 : i32
    %c0_i32_0 = arith.constant 0 : i32
    return %c0_i32 : i32
  }
  func.func @transform_9(%arg0: i32) -> (i32, i32, i32) {
    %c0_i32 = arith.constant 0 : i32
    %c0_i32_0 = arith.constant 0 : i32
    %c0_i32_1 = arith.constant 0 : i32
    %c0_i32_2 = arith.constant 0 : i32
    return %c0_i32, %c0_i32_0, %c0_i32_1 : i32, i32, i32
  }
  func.func @transform_10(%arg0: i32) -> (i32, i32, i32) {
    %c0_i32 = arith.constant 0 : i32
    %c0_i32_0 = arith.constant 0 : i32
    %c0_i32_1 = arith.constant 0 : i32
    %c0_i32_2 = arith.constant 0 : i32
    return %c0_i32, %c0_i32_0, %c0_i32_1 : i32, i32, i32
  }
  func.func @transform_11(%arg0: i32) -> (i32, i32, i32) {
    %c0_i32 = arith.constant 0 : i32
    %c0_i32_0 = arith.constant 0 : i32
    %c0_i32_1 = arith.constant 0 : i32
    %c0_i32_2 = arith.constant 0 : i32
    return %c0_i32, %c0_i32_0, %c0_i32_1 : i32, i32, i32
  }
  func.func @transform_12(%arg0: i32) -> (i32, i32, i32) {
    %c0_i32 = arith.constant 0 : i32
    %c0_i32_0 = arith.constant 0 : i32
    %c0_i32_1 = arith.constant 0 : i32
    %c0_i32_2 = arith.constant 0 : i32
    return %c0_i32, %c0_i32_0, %c0_i32_1 : i32, i32, i32
  }
  func.func @transform_16(%arg0: i32) -> i32 {
    %c0_i32 = arith.constant 0 : i32
    %c0_i32_0 = arith.constant 0 : i32
    return %c0_i32 : i32
  }
  func.func @transform_17(%arg0: i32) -> i32 {
    %c0_i32 = arith.constant 0 : i32
    %c0_i32_0 = arith.constant 0 : i32
    return %c0_i32 : i32
  }
  func.func @transform_18(%arg0: i32) -> i32 {
    %c0_i32 = arith.constant 0 : i32
    %c0_i32_0 = arith.constant 0 : i32
    return %c0_i32 : i32
  }
  func.func @transform_19(%arg0: i32) -> (i32, i32, i32) {
    %c0_i32 = arith.constant 0 : i32
    %c0_i32_0 = arith.constant 0 : i32
    %c0_i32_1 = arith.constant 0 : i32
    return %arg0, %c0_i32, %c0_i32_0 : i32, i32, i32
  }
  func.func @transform_20(%arg0: i32) -> (i32, i32, i32) {
    %c0_i32 = arith.constant 0 : i32
    %c0_i32_0 = arith.constant 0 : i32
    %c0_i32_1 = arith.constant 0 : i32
    %c0_i32_2 = arith.constant 0 : i32
    return %c0_i32, %c0_i32_0, %c0_i32_1 : i32, i32, i32
  }
  func.func @transform_21(%arg0: i32) -> (i32, i32, i32) {
    %c0_i32 = arith.constant 0 : i32
    %c0_i32_0 = arith.constant 0 : i32
    %c0_i32_1 = arith.constant 0 : i32
    %c0_i32_2 = arith.constant 0 : i32
    return %c0_i32, %c0_i32_0, %c0_i32_1 : i32, i32, i32
  }
  func.func @transform_22(%arg0: i32) -> (i32, i32, i32) {
    %c0_i32 = arith.constant 0 : i32
    %c0_i32_0 = arith.constant 0 : i32
    %c0_i32_1 = arith.constant 0 : i32
    %c0_i32_2 = arith.constant 0 : i32
    return %c0_i32, %c0_i32_0, %c0_i32_1 : i32, i32, i32
  }
  func.func @transform_23(%arg0: i32) -> (i32, i32, i32) {
    %c0_i32 = arith.constant 0 : i32
    %c0_i32_0 = arith.constant 0 : i32
    %c0_i32_1 = arith.constant 0 : i32
    %c0_i32_2 = arith.constant 0 : i32
    return %c0_i32, %c0_i32_0, %c0_i32_1 : i32, i32, i32
  }
}

</mosaic_0001>

<sc_bundles>
// kernel: kernel.4.cloned.1.call-start
scs
__scs_entry_jumppad:
0x0: {  	(pc) =	sbr.rel $0x88, $3  }
0x1: {  	(tag) =	ssettag $0x0;
	lr =	simm.s32 $0x1  }
0x2: {  	[smem:$0x3F8D] =	sst lr;
	_ =	strace $0xD0000000  }
0x3: {  	_ = 	snop  }
0x4: {  	_ = 	snop  }
0x5: {  	_ = 	snop  }
0x6: {  	_ = 	snop  }
0x7: {  	_ = 	snop  }
__scs_overlays_trampoline_lowered:
0x8: {  	[smem:$0x3F9C] =	sst s0  }
0x9: {  	[smem:$0x3F9D] =	sst s1  }
0xa: {  	[smem:$0x3F9E] =	sst s2  }
0xb: {  	[smem:$0x3F9F] =	sst s3  }
0xc: {  	[smem:$0x3FA0] =	sst s4  }
0xd: {  	[smem:$0x3FA1] =	sst s5  }
0xe: {  	[smem:$0x3FA2] =	sst s6  }
0xf: {  	[smem:$0x3FA3] =	sst s7  }
0x10: {  	[smem:$0x3FA4] =	sst s8  }
0x11: {  	[smem:$0x3FA5] =	sst s9;
	s0 =	simm.s32 @!p0 $0x0  }
0x12: {  	s1 =	sld [smem:$0x3F8B];
	s0 =	simm.s32 @p0 $0x1  }
0x13: {  	[smem:$0x3FA6] =	sst s0;
	s0 =	simm.s32 @!p1 $0x0  }
0x14: {  	s2 =	sld [smem:$0x3F8A];
	s0 =	simm.s32 @p1 $0x1  }
0x15: {  	[smem:$0x3FA7] =	sst s0;
	s0 =	simm.s32 @!p2 $0x0  }
0x16: {  	s3 =	sld [smem:$0x3FDB];
	s0 =	simm.s32 @p2 $0x1  }
0x17: {  	s4 =	simm.s32 $0x1BF5;
	[smem:$0x3FA9] =	sst s0  }
0x18: {  	s0 =	sld [smem:$0x3F8C];
	_ =	swait.ge [sflag:s4], $0x0  }
0x19: {  	s7 =	sld [smem:$0x3F8D]  }
0x1a: {  	s8 =	sadd.s32 $0xFFFFE003, lr  }
0x1b: {  	s9 =	sadd.s32 $0xFFFFFEF7, lr;
	s5 =	simm.s32 $0xFFFFFFFF;
	p2 =	slt.u32 s8, $0xFFFFF086  }
0x1c: {  	p1 =	slt.u32 s9, $0xF7A;
	s5 =	simm.s32 @!p2 $0x0  }
0x1d: {  	s5 =	simm.s32 @p1 $0x1;
	p0 =	seq.s32 s7, s2  }
0x1e: {  	s7 =	smul.u32 @!p0 $0xF7A, s2;
	p2 =	seq.s32 @!p0 s5, $0x0  }
0x1f: {  	s9 =	smul.u32 $0xF7A, s1;
	s8 =	simm.s32 @!p0 $0x1BF5;
	p2 =	por !p2, p0  }
0x20: {  	[sflag:s8] =	ssyncset.s32 @!p0 $0xFFFFF086;
	s6 =	sadd.s32 @!p0 s3, s7;
	s7 =	simm.s32 @!p0 $0x108  }
0x21: {  	s3 =	sadd.s32 s3, s9;
	s6 =	sadd.s32 @!p0 $0x88, s6;
	s7 =	simm.s32 @p2 $0x1082  }
0x22: {  	[simem:s7], [sflag:s8] =	dma.local @!p0 [hbm:s6], $0xF7A  }
0x23: {  	s9 =	sor.u32 $0xD0000000, s2;
	s6 =	simm.s32 $0x108;
	_ =	swait.ge @!p0 [sflag:s8], $0x0  }
0x24: {  	s3 =	sadd.s32 $0x88, s3;
	s6 =	simm.s32 @!p1 $0x1082;
	[sflag:s4] =	ssyncset.s32 $0xFFFFF086  }
0x25: {  	[simem:s6], [sflag:s4] =	dma.local [hbm:s3], $0xF7A  }
0x26: {  	[smem:$0x3F8D] =	sst s1;
	(tag) =	ssettag s2;
	_ =	strace s9  }
0x27: {  	s1 =	sld [smem:$0x3F9D]  }
0x28: {  	s2 =	sld [smem:$0x3F9E]  }
0x29: {  	s4 =	sld [smem:$0x3FA0]  }
0x2a: {  	p0 =	seq.s32 s5, $0x0;
	s5 =	sld [smem:$0x3FA1]  }
0x2b: {  	s6 =	sld [smem:$0x3FA2]  }
0x2c: {  	s7 =	sld [smem:$0x3FA3]  }
0x2d: {  	s3 =	simm.s32 $0x108;
	s8 =	sld [smem:$0x3FA4]  }
0x2e: {  	s3 =	simm.s32 @!p0 $0x1082;
	s9 =	sld [smem:$0x3FA5]  }
0x2f: {  	lr =	sadd.s32 s0, s3;
	s0 =	sld [smem:$0x3F9C]  }
0x30: {  	s3 =	sld [smem:$0x3F9F]  }
0x31: {  	[smem:$0x3FA8] =	sst s10  }
0x32: {  	s10 =	sld [smem:$0x3FA6];
	_ =	sdelay $0x3  }
0x33: {  	p0 =	seq.s32 s10, $0x1;
	s10 =	sld [smem:$0x3FA8];
	_ =	sdelay $0x3  }
0x34: {  	[smem:$0x3FA8] =	sst s10  }
0x35: {  	s10 =	sld [smem:$0x3FA7];
	_ =	sdelay $0x3  }
0x36: {  	p1 =	seq.s32 s10, $0x1;
	s10 =	sld [smem:$0x3FA8];
	_ =	sdelay $0x3  }
0x37: {  	[smem:$0x3FA8] =	sst s10  }
0x38: {  	s10 =	sld [smem:$0x3FA9]  }
0x39: {  	_ = 	snop;
	(pc) =	sbr.ind lr, $3  }
0x3a: {  	_ = 	snop  }
0x3b: {  	_ = 	snop  }
0x3c: {  	p2 =	seq.s32 s10, $0x1;
	s10 =	sld [smem:$0x3FA8]  }
0x3d: {  	_ =	shalt  }
0x3e: {  	_ =	shalt  }
0x3f: {  	_ =	shalt  }
0x40: {  	_ =	shalt  }
0x41: {  	_ =	shalt  }
0x42: {  	_ =	shalt  }
0x43: {  	_ =	shalt  }
0x44: {  	_ =	shalt  }
0x45: {  	_ =	shalt  }
0x46: {  	_ =	shalt  }
0x47: {  	_ =	shalt  }
0x48: {  	_ =	shalt  }
0x49: {  	_ =	shalt  }
0x4a: {  	_ =	shalt  }
0x4b: {  	_ =	shalt  }
0x4c: {  	_ =	shalt  }
0x4d: {  	_ =	shalt  }
0x4e: {  	_ =	shalt  }
0x4f: {  	_ =	shalt  }
0x50: {  	_ =	shalt  }
0x51: {  	_ =	shalt  }
0x52: {  	_ =	shalt  }
0x53: {  	_ =	shalt  }
0x54: {  	_ =	shalt  }
0x55: {  	_ =	shalt  }
0x56: {  	_ =	shalt  }
0x57: {  	_ =	shalt  }
0x58: {  	_ =	shalt  }
0x59: {  	_ =	shalt  }
0x5a: {  	_ =	shalt  }
0x5b: {  	_ =	shalt  }
0x5c: {  	_ =	shalt  }
0x5d: {  	_ =	shalt  }
0x5e: {  	_ =	shalt  }
0x5f: {  	_ =	shalt  }
0x60: {  	_ =	shalt  }
0x61: {  	_ =	shalt  }
0x62: {  	_ =	shalt  }
0x63: {  	_ =	shalt  }
0x64: {  	_ =	shalt  }
0x65: {  	_ =	shalt  }
0x66: {  	_ =	shalt  }
0x67: {  	_ =	shalt  }
0x68: {  	_ =	shalt  }
0x69: {  	_ =	shalt  }
0x6a: {  	_ =	shalt  }
0x6b: {  	_ =	shalt  }
0x6c: {  	_ =	shalt  }
0x6d: {  	_ =	shalt  }
0x6e: {  	_ =	shalt  }
0x6f: {  	_ =	shalt  }
0x70: {  	_ =	shalt  }
0x71: {  	_ =	shalt  }
0x72: {  	_ =	shalt  }
0x73: {  	_ =	shalt  }
0x74: {  	_ =	shalt  }
0x75: {  	_ =	shalt  }
0x76: {  	_ =	shalt  }
0x77: {  	_ =	shalt  }
0x78: {  	_ =	shalt  }
0x79: {  	_ =	shalt  }
0x7a: {  	_ =	shalt  }
0x7b: {  	_ =	shalt  }
0x7c: {  	_ =	shalt  }
0x7d: {  	_ =	shalt  }
0x7e: {  	_ =	shalt  }
0x7f: {  	_ =	shalt  }
0x80: {  	_ =	shalt  }
0x81: {  	_ =	shalt  }
0x82: {  	_ =	shalt  }
0x83: {  	_ =	shalt  }
0x84: {  	_ =	shalt  }
0x85: {  	_ =	shalt  }
0x86: {  	_ =	shalt  }
0x87: {  	_ =	shalt  }
.Lfunc_end0:
.L_simem_size_0:
called_computation_lowered:
.L_overlay_start_0:
0x88: {  	s2 =	sld [smem:$0x3FD9]  }
0x89: {  	s3 =	sld [smem:$0x3FFE];
	_ =	sdelay $0x1  }
0x8a: {  	s1 =	srdreg.scid  }
0x8b: {  	s0 =	sand.u32 $0x1, s1  }
0x8c: {  	s15 =	sshll.u32 s0, $0xA;
	s2 =	sadd.s32 s3, s2  }
0x8d: {  	s2 =	sadd.s32 s2, s15  }
0x8e: {  	[smem:$0x3FB4] =	sst s2  }
0x8f: {  	_ = 	snop  }
0x90: {  	s2 =	sld [smem:$0x3FD0];
	_ =	sdelay $0x2  }
0x91: {  	s4 =	simm.s32 $0xA;
	s5 =	simm.s32 $0x10;
	s16 =	sld [smem:$0x3FC4]  }
0x92: {  	[smem:s5], [sflag:s4] =	dma.local [hbm:s2], $0x1  }
0x93: {  	_ =	swait.eq [sflag:s4], $0x1  }
0x94: {  	[sflag:s4] =	ssyncset.done $0x0  }
0x95: {  	s17 =	sld [smem:$0x10];
	[sflag:s4] =	ssyncadd.s32 $0xFFFFFFFF  }
0x96: {  	s18 =	sld [smem:$0x12];
	(tm) =	ssettm $0x1  }
0x97: {  	s19 =	sld [smem:$0x3FFB];
	_ =	sdelay $0x3  }
0x98: {  	_ =	strace s19  }
0x99: {  	s5 =	sld [smem:$0x3FFC];
	_ =	sdelay $0x3  }
0x9a: {  	_ =	strace s5  }
0x9b: {  	s5 =	sld [smem:$0x3FFD];
	_ =	sdelay $0x3  }
0x9c: {  	_ =	strace s5  }
0x9d: {  	_ =	strace $0x8FFFFFFF  }
0x9e: {  	s20 =	sld [smem:$0x3FDB];
	_ =	sdelay $0x1  }
0x9f: {  	s6 =	simm.s32 $_scs_section_size  }
0xa0: {  	s7 =	simm.s32 $_size__tile_overlayer_lowered;
	s8 =	simm.s32 $_tile_overlayer_lowered  }
0xa1: {  	s23 =	simm.s32 $0x1BFF;
	s22 =	sshll.u32 s8, $0x1;
	s5 =	sadd.s32 s6, s20  }
0xa2: {  	s9 =	simm.s32 $0x0;
	s21 =	sshll.u32 s7, $0x1;
	s7 =	sadd.s32 s22, s5  }
0xa3: {  	[timem:s9], [sflag:s23] =	dma.local [hbm:s7], s21  }
0xa4: {  	_ =	swait.ge [sflag:s23], s21  }
0xa5: {  	s6 =	ssub.s32 $0x0, s21;
	[sflag:s23] =	ssyncset.done $0x0  }
0xa6: {  	[sflag:s23] =	ssyncadd.s32 s6;
	_ =	sdelay $0x1  }
0xa7: {  	s24 =	simm.s32 $0x1B8B  }
0xa8: {  	_ =	swait.ge [sflag:s24], $0x1  }
0xa9: {  	[sflag:s24] =	ssyncset.done $0x0  }
0xaa: {  	s25 =	simm.s32 $0x1B8E;
	[sflag:s24] =	ssyncadd.s32 $0xFFFFFFFF  }
0xab: {  	s26 =	simm.s32 $execute0_lowered;
	[smem:$0x3FD2] =	sst s25  }
0xac: {  	s6 =	sshll.u32 s26, $0x1;
	_ =	strace $0x80000046;
	[dreg:$0x1] =	wrdreg $0xFFFFFFFF  }
0xad: {  	s28 =	simm.s32 $_size_execute0_lowered;
	s5 =	sadd.s32 s5, s6;
	[dreg:$0x0] =	wrdreg $0x0  }
0xae: {  	s6 =	sshll.u32 s28, $0x1;
	[dreg:$0x2] =	wrdreg s5  }
0xaf: {  	[dreg:$0x3] =	wrdreg s6  }
0xb0: {  	[dreg:$0x4] =	wrdreg $0xC0  }
0xb1: {  	_ =	task [dreg:s9], $0x5FFFF  }
0xb2: {  	[dreg:$0x1] =	wrdreg $0xFFFFFFFF  }
0xb3: {  	[dreg:$0x0] =	wrdreg $0x60  }
0xb4: {  	[dreg:$0x2] =	wrdreg s16  }
0xb5: {  	[dreg:$0x3] =	wrdreg s18  }
0xb6: {  	[dreg:$0x4] =	wrdreg s17  }
0xb7: {  	[dreg:$0x5] =	wrdreg $0x9  }
0xb8: {  	_ =	task.clear_ibuf [dreg:s9], $0x6FFFF;
	_ =	strace $0x90000046  }
0xb9: {  	s29 =	simm.s32 $0x9;
	_ =	strace $0x80000048  }
0xba: {  	_ =	swait.ge [sflag:s29], $0x1  }
0xbb: {  	[sflag:s29] =	ssyncadd.s32 $0xFFFFFFFF  }
0xbc: {  	_ =	strace $0x90000048  }
0xbd: {  	_ =	sfence  }
0xbe: {  	s30 =	sld [smem:$0x0];
	_ =	sdelay $0x2  }
0xbf: {  	s31 =	sshll.u32 s1, $0xD;
	s1 =	sshrl.u32 s1, $0x2  }
0xc0: {  	s3 =	sand.u32 $0x4000, s31;
	s1 =	sadd.s32 s1, s30  }
0xc1: {  	s0 =	sor.u32 s3, s0;
	s1 =	sshll.u32 s1, $0x11  }
0xc2: {  	s0 =	sor.u32 s1, s0  }
0xc3: {  	s0 =	sadd.s32 $0x8F2B, s0  }
0xc4: {  	[sflag:s0] =	ssyncadd.remote.s32 $0x1  }
0xc5: {  	_ =	sfence.sel $0xFFFF  }
0xc6: {  	[dreg:$0x0] =	wrdreg $0xFFFFFFFF;
	(pc) =	sbr.abs _section_cstart, $3  }
0xc7: {  	[dreg:$0x1] =	wrdreg $0xFFFFFFFF  }
0xc8: {  	_ =	task.clear_ibuf [dreg:s9], $0x2FFFF;
	_ =	strace $0x9FFFFFFF  }
0xc9: {  	(tm) =	ssettm $0x7FFFFFFF  }
tec
execute0_lowered:
.L_overlay_start_1:
0x0: {  	(tag) =	ssettag $0x1  }
0x1: {  	s2 =	rddreg [dreg:$0x0]  }
0x2: {  	s4 =	rddreg [dreg:$0x1];
	s1 =	srdreg.scid  }
0x3: {  	s0 =	stileid.u32;
	s9 =	rddreg [dreg:$0x2]  }
0x4: {  	s3 =	simm.s32 $0x0;
	s6 =	sand.u32 $0x1, s1;
	s5 =	sshll.u32 s0, $0x1  }
0x5: {  	[smem:$0x7FF] =	sst s3;
	s10 =	sor.u32 s6, s5  }
0x6: {  	s1 =	rddreg [dreg:$0x3];
	_ =	strace $0x80000047;
	s5 =	sshll.u32 s10, $0x4  }
0x7: {  	s11 =	ssub.s32 $0x2, s6;
	s5 =	sadd.s32 s4, s5;
	s4 =	simm.s32 $0x2  }
0x8: {  	[tilespmem:s3], [sflag:$0x2] =	stream.linear.gather [hbm4b:s5+s3], $0x80, $0x38;
	[tilespmem:$0x880] =	vst v63  }
0x9: {  	s7 =	simm.s32 $0x80;
	s12 =	sshrl.u32 s11, $0x1;
	_ =	swait.ge [sflag:s4], $0x80  }
0xa: {  	s8 =	simm.s32 $0x1;
	s11 =	ssub.s32 s11, s12;
	[sflag:s4] =	ssyncset.done $0x0  }
0xb: {  	s6 =	simm.s32 $0x10;
	s31 =	smax.u32 s11, $0x1;
	[sflag:s4] =	ssyncadd.s32 $0xFFFFFF80  }
0xc: {  	[tilespmem:s7], [sflag:$0x1] =	stream.indirect.gather [hbm4b:s2+s6], $0x80, s3, s6, $0xb8;
	[tilespmem:$0x880] =	vst v63  }
0xd: {  	p0 =	sne.s32 s31, $0x1;
	_ =	swait.ge [sflag:s8], $0x800  }
.Ltmp0:
0xe: {  	s10 =	sshll.u32 s10, $0x8;
	[sflag:s8] =	ssyncset.done $0x0;
	(pc) =	sbr.rel @!p0 .LBB2_2-.Ltmp0, $4  }
0xf: {  	s9 =	sadd.s32 s9, s10;
	[sflag:s8] =	ssyncadd.s32 $0xFFFFF800  }
0x10: {  	[hbm4b:s9+s3] =	stream.linear.scatter [tilespmem:s7], [sflag:$0x2], $0x800, $0x38;
	[tilespmem:$0x880] =	vst v63  }
0x11: {  	_ =	swait.ge [sflag:s4], $0x800  }
0x12: {  	s10 =	sadd.s32 $0xFFFFFFFF, s31;
	[sflag:s4] =	ssyncset.done $0x0  }
.LBB2_1:
0x13: {  	p0 =	sne.s32 s10, $0x1;
	s10 =	sadd.s32 $0xFFFFFFFF, s10;
	[sflag:s4] =	ssyncadd.s32 $0xFFFFF800  }
0x14: {  	[tilespmem:s3], [sflag:$0x2] =	stream.linear.gather [hbm4b:s5+s3], $0x80, $0x38;
	[tilespmem:$0x880] =	vst v63  }
0x15: {  	_ =	swait.ge [sflag:s4], $0x80  }
0x16: {  	[sflag:s4] =	ssyncset.done $0x0  }
0x17: {  	[sflag:s4] =	ssyncadd.s32 $0xFFFFFF80  }
0x18: {  	[tilespmem:s7], [sflag:$0x1] =	stream.indirect.gather [hbm4b:s2+s6], $0x80, s3, s6, $0xb8;
	[tilespmem:$0x880] =	vst v63  }
0x19: {  	_ =	swait.ge [sflag:s8], $0x800  }
.Ltmp1:
0x1a: {  	[sflag:s8] =	ssyncset.done $0x0;
	(pc) =	sbr.rel @p0 .LBB2_1-.Ltmp1, $4  }
0x1b: {  	[sflag:s8] =	ssyncadd.s32 $0xFFFFF800  }
0x1c: {  	[hbm4b:s9+s3] =	stream.linear.scatter [tilespmem:s7], [sflag:$0x2], $0x800, $0x38;
	[tilespmem:$0x880] =	vst v63  }
0x1d: {  	_ =	swait.ge [sflag:s4], $0x800  }
0x1e: {  	[sflag:s4] =	ssyncset.done $0x0  }
.LBB2_2:
0x1f: {  	[sflag:s4] =	ssyncadd.s32 $0xFFFFF800  }
0x20: {  	_ =	sfence.sel $0x180000  }
0x21: {  	[bflag:$0x0] =	sbarrier.arrive $0xFFFF  }
0x22: {  	p0 =	sne.s32 s0, $0x0;
	_ =	strace $0x90000047  }
0x23: {  	s0 =	sadd.s32 @!p0 $0x100000, s1;
	[bflag:$0x2] =	sbarrier.arrive $0xFFFF  }
0x24: {  	[sflag:s0] =	ssyncadd.tile.s32 @!p0 $0x1;
	_ =	shalt  }
.Lfunc_end2:
_tile_overlayer_lowered:
.L_overlay_start_2:
0x25: {  	(tag) =	ssettag $0x2  }
0x26: {  	s0 =	rddreg [dreg:$0x0];
	s2 =	stileid.u32  }
0x27: {  	s1 =	rddreg [dreg:$0x1];
	p0 =	sne.s32 s2, $0x0  }
0x28: {  	s3 =	rddreg [dreg:$0x2];
	[bflag:$0x3] =	sbarrier.arrive $0xFFFF;
	s2 =	simm.s32 @!p0 $0x1C02  }
0x29: {  	[timem:s3], [sflag:s2] =	dma.local @!p0 [hbm:s0], s1  }
0x2a: {  	s0 =	simm.s32 @!p0 $0x2  }
0x2b: {  	_ =	swait.ge @!p0 [sflag:s0], s1  }
0x2c: {  	s1 =	ssub.s32 @!p0 $0x0, s1;
	[sflag:s0] =	ssyncset.done @!p0 $0x0  }
0x2d: {  	[sflag:s0] =	ssyncadd.s32 @!p0 s1  }
0x2e: {  	[bflag:$0x3] =	sbarrier.arrive $0xFFFF  }
0x2f: {  	_ =	shalt  }

</sc_bundles>
